<compile_context>
chip_gen: v7x
topology: tpu7x:2x2x1
jax: 0.10.2.dev20260603
libtpu: 0.0.44.dev20260713+nightly
codegen_flags: <defaults>
</compile_context>

<pallas_src>
import functools

import jax
import jax.numpy as jnp
from jax import lax
from jax.experimental import pallas as pl
from jax.experimental.pallas import tpu as pltpu
from jax.experimental.pallas import tpu_sc as plsc

N = 2048
F = 512
K = 16
BM = 256
NW = 32
RPW = N // NW
CHUNKS = N // 16


def _gcn_body(a_ref, x_ref, w_ref, o_ref):
    h = lax.dot_general(a_ref[...], x_ref[...], (((1,), (0,)), ((), ())),
                        preferred_element_type=jnp.float32)
    o = lax.dot_general(h, w_ref[...], (((1,), (0,)), ((), ())),
                        preferred_element_type=jnp.float32)
    o_ref[...] = jnp.maximum(o, 0.0)


def _gcn(A, X, W):
    return pl.pallas_call(
        _gcn_body,
        grid=(N // BM,),
        in_specs=[
            pl.BlockSpec((BM, N), lambda i: (i, 0)),
            pl.BlockSpec((N, F), lambda i: (0, 0)),
            pl.BlockSpec((F, F), lambda i: (0, 0)),
        ],
        out_specs=pl.BlockSpec((BM, F), lambda i: (i, 0)),
        out_shape=jax.ShapeDtypeStruct((N, F), jnp.float32),
    )(A, X, W)



def _pdist_body(xi_ref, xa_ref, snc_ref, snr_ref, t_ref, m_ref):
    xi = xi_ref[...]
    xa = xa_ref[...]
    temp = t_ref[0, 0]
    g = lax.dot_general(xi, xa, (((1,), (1,)), ((), ())),
                        preferred_element_type=jnp.float32)
    m_ref[...] = ((snc_ref[...] + snr_ref[...]) - 2.0 * g) * temp


def _pdist(x, sn_col, sn_row, temp):
    return pl.pallas_call(
        _pdist_body,
        grid=(N // BM,),
        in_specs=[
            pl.BlockSpec((BM, F), lambda i: (i, 0)),
            pl.BlockSpec((N, F), lambda i: (0, 0)),
            pl.BlockSpec((BM, 1), lambda i: (i, 0)),
            pl.BlockSpec((1, N), lambda i: (0, 0)),
            pl.BlockSpec(memory_space=pltpu.SMEM),
        ],
        out_specs=pl.BlockSpec((BM, N), lambda i: (i, 0)),
        out_shape=jax.ShapeDtypeStruct((N, N), jnp.float32),
    )(x, x, sn_col, sn_row, temp)



def _d2_body(mi_ref, mj_ref, sqc_ref, sqr_ref, o_ref):
    mi = mi_ref[...]
    mj = mj_ref[...]
    s = lax.dot_general(mi, mj, (((1,), (1,)), ((), ())),
                        preferred_element_type=jnp.float32)
    o_ref[...] = (sqc_ref[...] + sqr_ref[...]) - 2.0 * s


def _d2(m, sq_col, sq_row):
    return pl.pallas_call(
        _d2_body,
        grid=(N // BM, N // BM),
        in_specs=[
            pl.BlockSpec((BM, N), lambda i, j: (i, 0)),
            pl.BlockSpec((BM, N), lambda i, j: (j, 0)),
            pl.BlockSpec((BM, 1), lambda i, j: (i, 0)),
            pl.BlockSpec((1, BM), lambda i, j: (0, j)),
        ],
        out_specs=pl.BlockSpec((BM, BM), lambda i, j: (i, j)),
        out_shape=jax.ShapeDtypeStruct((N, N), jnp.float32),
    )(m, m, sq_col, sq_row)



def _sc_topk_body(d2_hbm, m_hbm, idx_out, gm_out, d2row, mrow, idxbuf, gmbuf):
    c = lax.axis_index("c")
    s = lax.axis_index("s")
    wid = s * 2 + c
    base = wid * RPW

    ids = lax.iota(jnp.int32, 16)

    def row_body(lr, _):
        rg = base + lr
        pltpu.sync_copy(d2_hbm.at[rg], d2row)
        pltpu.sync_copy(m_hbm.at[rg], mrow)
        ck, cv = lax.sort((d2row[pl.ds(0, 16)], ids), dimension=0, num_keys=1)

        def chunk_body(ci, carry):
            ck, cv = carry
            v = d2row[pl.ds(ci * 16, 16)]
            thresh = jnp.max(ck)

            def merge(args):
                ck, cv = args
                sk, sv = lax.sort((v, ids + ci * 16), dimension=0, num_keys=1)
                skr = lax.rev(sk, (0,))
                svr = lax.rev(sv, (0,))
                take = ck <= skr
                nk = jnp.where(take, ck, skr)
                nv = jnp.where(take, cv, svr)
                rk, rv = lax.sort((nk, nv), dimension=0, num_keys=1)
                return (rk, rv)

            return lax.cond(jnp.any(v < thresh), merge, lambda a: a, (ck, cv))

        ck, cv = lax.fori_loop(1, CHUNKS, chunk_body, (ck, cv))
        gm = plsc.load_gather(mrow, [cv])
        idxbuf[pl.ds(lr * K, K)] = cv
        gmbuf[pl.ds(lr * K, K)] = gm
        return 0

    lax.fori_loop(0, RPW, row_body, 0)
    pltpu.sync_copy(idxbuf, idx_out.at[pl.ds(base * K, RPW * K)])
    pltpu.sync_copy(gmbuf, gm_out.at[pl.ds(base * K, RPW * K)])


def _sc_topk(d2, m):
    mesh = plsc.VectorSubcoreMesh(core_axis_name="c", subcore_axis_name="s")
    fn = pl.kernel(
        _sc_topk_body,
        out_type=(
            jax.ShapeDtypeStruct((N * K,), jnp.int32),
            jax.ShapeDtypeStruct((N * K,), jnp.float32),
        ),
        mesh=mesh,
        compiler_params=pltpu.CompilerParams(needs_layout_passes=False),
        scratch_types=[
            pltpu.VMEM((N,), jnp.float32),
            pltpu.VMEM((N,), jnp.float32),
            pltpu.VMEM((RPW * K,), jnp.int32),
            pltpu.VMEM((RPW * K,), jnp.float32),
        ],
    )
    return fn(d2, m)



def _acc8(p):
    acc = p[:, 0:8]
    for c in range(1, p.shape[1] // 8):
        acc = acc + p[:, c * 8:(c + 1) * 8]
    return acc

def _tree8(a):
    a4 = a[:, :4] + a[:, 4:]
    a2 = a4[:, :2] + a4[:, 2:]
    return a2[:, :1] + a2[:, 1:2]

def _rowsum_512(p):
    return _tree8(_acc8(p))


def kernel(x_pre, A, W, temperature):
    X = x_pre.reshape(N, F)
    temp = jnp.exp(jnp.clip(temperature, -5.0, 5.0)).reshape(1, 1)
    x = _gcn(A, X, W)
    sn = _rowsum_512(x * x)
    lq = _pdist(x, sn, sn.reshape(1, N), temp)
    q = lq * lq
    sq = _tree8(_acc8(q[:, :1024])) + _tree8(_acc8(q[:, 1024:]))
    d2 = _d2(lq, sq, sq.reshape(1, N))
    idx_flat, gm_flat = _sc_topk(d2, lq)
    logprobs = (-gm_flat).reshape(1, N, K)
    src = jnp.repeat(jnp.arange(N, dtype=jnp.int32), K)
    edges = jnp.stack([src, idx_flat], axis=0)
    return (x.reshape(1, N, F), edges, logprobs)

# --- scband reference (transcript-rebuilt; emitter-appended) ---
"""Pipeline reference for scband-dgm-d-58308476011160 (READ-ONLY COPY).

The authoritative reference and input builder live on the scoring server;
editing this copy changes nothing except your own understanding.
"""

import jax, jax.numpy as jnp
import numpy as np

K = 16
NUM_NODES = 2048


def _embed_gcn(x_pre, A, W):
    # stand-in for self.embed_f with hparams.ffun == 'gcn': one dense GCN layer
    b, t, n, f = x_pre.shape
    h = x_pre.reshape(b * t, n, f)
    return jax.nn.relu(jnp.einsum('nm,bmf->bnf', A, h) @ W)  # [b*t, n, f_out]


def setup_inputs(seed: int = 0):
    key = jax.random.key(seed)
    k1, k2, k3 = jax.random.split(key, 3)
    x_pre = jax.random.normal(k1, (1, 1, 2048, 512), dtype=jnp.float32)
    A = jax.random.uniform(k2, (2048, 2048), dtype=jnp.float32) / 2048.0
    W = jax.random.normal(k3, (512, 512), dtype=jnp.float32) / np.sqrt(512.0)
    temperature = jnp.asarray(4.0, dtype=jnp.float32)  # nn.Parameter (euclidean init)
    return {"x_pre": x_pre, "A": A, "W": W, "temperature": temperature}


def reference(x_pre, A, W, temperature):
    # forward (training branch, fixedges=None) -> sample_without_replacement
    x = _embed_gcn(x_pre, A, W)  # [b*t, n, f_out]
    xr = x[0].reshape(-1, NUM_NODES, x.shape[-1])  # [1, n, f]
    bb, n, f = xr.shape
    temp = jnp.exp(jnp.clip(temperature, -5.0, 5.0))
    # pairwise squared euclidean distances mD = ((G_i - X_j)**2).sum(-1), via expansion
    sn = jnp.sum(xr * xr, axis=-1)  # [bb, n]
    mD = sn[:, :, None] + sn[:, None, :] - 2.0 * jnp.einsum('bif,bjf->bij', xr, xr)
    lq = jnp.sum(mD * temp, axis=0)  # [n, n]
    # KNN(k, transpose_mode=True)(lq, lq): k nearest rows of lq for each query row
    sq = jnp.sum(lq * lq, axis=-1)
    D2 = sq[:, None] + sq[None, :] - 2.0 * (lq @ lq.T)
    _, indices = jax.lax.top_k(-D2, K)  # [n, K] smallest distances
    idx_flat = indices.reshape(1, -1)  # [1, n*K]
    x1 = jnp.take(xr[0], idx_flat[0], axis=0)[None, :, :]  # [1, n*K, f]
    x2 = jnp.repeat(xr[:, :, None, :], K, axis=2).reshape(bb, -1, f)
    logprobs = (-jnp.sum((x1 - x2) ** 2, axis=-1) * temp).reshape(bb, -1, K)
    src = jnp.repeat(jnp.arange(n, dtype=jnp.int32), K)
    edges = jnp.stack([src, idx_flat[0].astype(jnp.int32)], axis=0)  # [2, n*K]
    return (x, edges, logprobs)

if __name__ == "__main__":
    import jax
    _d = setup_inputs()
    print(jax.jit(kernel)(*tuple(_d.values())))

</pallas_src>

<mosaic_0001>
#map = affine_map<(d0, d1) -> (0, 0)>
#map1 = affine_map<(d0, d1) -> (0)>
module attributes {stable_mosaic.version = 14 : i64} {
  func.func @_sc_topk_body(%arg0: i32, %arg1: i32, %arg2: memref<2048x2048xf32, #tpu.memory_space<hbm>>, %arg3: memref<2048x2048xf32, #tpu.memory_space<hbm>>, %arg4: memref<32768xi32, #tpu.memory_space<hbm>>, %arg5: memref<32768xf32, #tpu.memory_space<hbm>>, %arg6: memref<2048xf32, #tpu.memory_space<vmem>>, %arg7: memref<2048xf32, #tpu.memory_space<vmem>>, %arg8: memref<1024xi32, #tpu.memory_space<vmem>>, %arg9: memref<1024xf32, #tpu.memory_space<vmem>>) attributes {dimension_semantics = [#tpu.dimension_semantics<core_parallel>, #tpu.dimension_semantics<subcore_parallel>], iteration_bounds = array<i64: 2, 16>, scalar_prefetch = 0 : i64, scratch_operands = 4 : i64, tpu.core_type = #tpu.core_type<sc_vector_subcore>, window_params = [{transform_indices = #map}, {transform_indices = #map}, {transform_indices = #map1}, {transform_indices = #map1}]} {
    %mul3A = arith.constant 2 : i32
    %mul3A_0 = arith.muli %arg1, %mul3A : i32
    %add3A = arith.addi %mul3A_0, %arg0 : i32
    %mul3A_1 = arith.constant 64 : i32
    %mul3A_2 = arith.muli %add3A, %mul3A_1 : i32
    %iota3A = tpu.iota {dimensions = array<i32: 0>} : vector<16xi32>
    %scan3A = arith.constant 0 : i32
    %scan3A_3 = arith.constant 0 : i32
    %scan3A_4 = arith.constant 64 : i32
    %scan3A_5 = arith.addi %scan3A_3, %scan3A_4 : i32
    %scan3A_6 = arith.constant 1 : i32
    %scan3A_7 = scf.for %scan3A_13 = %scan3A_3 to %scan3A_5 step %scan3A_6 iter_args(%scan3A_14 = %scan3A) -> (i32)  : i32 {
      %add3A_15 = arith.addi %mul3A_2, %scan3A_13 : i32
      "tpu.region"() ({
        %run_scoped3A = tpu.sem_alloc : memref<!tpu.dma_semaphore, #tpu.memory_space<semaphore_mem>>
        %dma_start3A = arith.constant 0 : i32
        %dma_start3A_34 = tpu.memref_slice %arg2[%add3A_15, %dma_start3A] : memref<2048x2048xf32, #tpu.memory_space<hbm>> -> memref<1x2048xf32, #tpu.memory_space<hbm>>
        %dma_start3A_35 = tpu.memref_squeeze %dma_start3A_34 : memref<1x2048xf32, #tpu.memory_space<hbm>> -> memref<2048xf32, #tpu.memory_space<hbm>>
        %dma_start3A_36 = arith.constant 0 : i32
        %dma_start3A_37 = tpu.memref_slice %arg2[%add3A_15, %dma_start3A_36] : memref<2048x2048xf32, #tpu.memory_space<hbm>> -> memref<1x2048xf32, #tpu.memory_space<hbm>>
        %dma_start3A_38 = tpu.memref_squeeze %dma_start3A_37 : memref<1x2048xf32, #tpu.memory_space<hbm>> -> memref<2048xf32, #tpu.memory_space<hbm>>
        tpu.enqueue_dma source(%dma_start3A_38 : memref<2048xf32, #tpu.memory_space<hbm>>) target(%arg6 : memref<2048xf32, #tpu.memory_space<vmem>>) target_semaphore(%run_scoped3A : memref<!tpu.dma_semaphore, #tpu.memory_space<semaphore_mem>>)
        %dma_wait3A = arith.constant 0 : i32
        %dma_wait3A_39 = tpu.memref_slice %arg2[%add3A_15, %dma_wait3A] : memref<2048x2048xf32, #tpu.memory_space<hbm>> -> memref<1x2048xf32, #tpu.memory_space<hbm>>
        %dma_wait3A_40 = tpu.memref_squeeze %dma_wait3A_39 : memref<1x2048xf32, #tpu.memory_space<hbm>> -> memref<2048xf32, #tpu.memory_space<hbm>>
        %dma_wait3A_41 = arith.constant 0 : i32
        %dma_wait3A_42 = tpu.memref_slice %arg2[%add3A_15, %dma_wait3A_41] : memref<2048x2048xf32, #tpu.memory_space<hbm>> -> memref<1x2048xf32, #tpu.memory_space<hbm>>
        %dma_wait3A_43 = tpu.memref_squeeze %dma_wait3A_42 : memref<1x2048xf32, #tpu.memory_space<hbm>> -> memref<2048xf32, #tpu.memory_space<hbm>>
        tpu.wait_dma2 semaphore(%run_scoped3A : memref<!tpu.dma_semaphore, #tpu.memory_space<semaphore_mem>>) src(%dma_wait3A_43 : memref<2048xf32, #tpu.memory_space<hbm>>) dst(%arg6 : memref<2048xf32, #tpu.memory_space<vmem>>)
        tpu.yield
      }) : () -> ()
      "tpu.region"() ({
        %run_scoped3A = tpu.sem_alloc : memref<!tpu.dma_semaphore, #tpu.memory_space<semaphore_mem>>
        %dma_start3A = arith.constant 0 : i32
        %dma_start3A_34 = tpu.memref_slice %arg3[%add3A_15, %dma_start3A] : memref<2048x2048xf32, #tpu.memory_space<hbm>> -> memref<1x2048xf32, #tpu.memory_space<hbm>>
        %dma_start3A_35 = tpu.memref_squeeze %dma_start3A_34 : memref<1x2048xf32, #tpu.memory_space<hbm>> -> memref<2048xf32, #tpu.memory_space<hbm>>
        %dma_start3A_36 = arith.constant 0 : i32
        %dma_start3A_37 = tpu.memref_slice %arg3[%add3A_15, %dma_start3A_36] : memref<2048x2048xf32, #tpu.memory_space<hbm>> -> memref<1x2048xf32, #tpu.memory_space<hbm>>
        %dma_start3A_38 = tpu.memref_squeeze %dma_start3A_37 : memref<1x2048xf32, #tpu.memory_space<hbm>> -> memref<2048xf32, #tpu.memory_space<hbm>>
        tpu.enqueue_dma source(%dma_start3A_38 : memref<2048xf32, #tpu.memory_space<hbm>>) target(%arg7 : memref<2048xf32, #tpu.memory_space<vmem>>) target_semaphore(%run_scoped3A : memref<!tpu.dma_semaphore, #tpu.memory_space<semaphore_mem>>)
        %dma_wait3A = arith.constant 0 : i32
        %dma_wait3A_39 = tpu.memref_slice %arg3[%add3A_15, %dma_wait3A] : memref<2048x2048xf32, #tpu.memory_space<hbm>> -> memref<1x2048xf32, #tpu.memory_space<hbm>>
        %dma_wait3A_40 = tpu.memref_squeeze %dma_wait3A_39 : memref<1x2048xf32, #tpu.memory_space<hbm>> -> memref<2048xf32, #tpu.memory_space<hbm>>
        %dma_wait3A_41 = arith.constant 0 : i32
        %dma_wait3A_42 = tpu.memref_slice %arg3[%add3A_15, %dma_wait3A_41] : memref<2048x2048xf32, #tpu.memory_space<hbm>> -> memref<1x2048xf32, #tpu.memory_space<hbm>>
        %dma_wait3A_43 = tpu.memref_squeeze %dma_wait3A_42 : memref<1x2048xf32, #tpu.memory_space<hbm>> -> memref<2048xf32, #tpu.memory_space<hbm>>
        tpu.wait_dma2 semaphore(%run_scoped3A : memref<!tpu.dma_semaphore, #tpu.memory_space<semaphore_mem>>) src(%dma_wait3A_43 : memref<2048xf32, #tpu.memory_space<hbm>>) dst(%arg7 : memref<2048xf32, #tpu.memory_space<vmem>>)
        tpu.yield
      }) : () -> ()
      %get3A = arith.constant 0 : index
      %get3A_16 = tpu.vector_load %arg6[%get3A] {strides = array<i32>} : memref<2048xf32, #tpu.memory_space<vmem>>, vector<16xf32>,
      %sort3A = arith.constant dense<true> : vector<16xi1>
      %sort3A_17, %sort3A_18, %sort3A_19 = tpu.sort %get3A_16, %iota3A masked %sort3A : (vector<16xf32>, vector<16xi32>, vector<16xi1>) -> (vector<16xi1>, vector<16xf32>, vector<16xi32>)
      %scan3A_20 = arith.constant 1 : i32
      %scan3A_21 = arith.constant 127 : i32
      %scan3A_22 = arith.addi %scan3A_20, %scan3A_21 : i32
      %scan3A_23 = arith.constant 1 : i32
      %scan3A_24:2 = scf.for %scan3A_34 = %scan3A_20 to %scan3A_22 step %scan3A_23 iter_args(%scan3A_35 = %sort3A_18, %scan3A_36 = %sort3A_19) -> (vector<16xf32>, vector<16xi32>)  : i32 {
        %mul3A_37 = arith.constant 16 : i32
        %mul3A_38 = arith.muli %scan3A_34, %mul3A_37 : i32
        %get3A_39 = arith.index_cast %mul3A_38 : i32 to index
        %get3A_40 = tpu.vector_load %arg6[%get3A_39] {strides = array<i32>} : memref<2048xf32, #tpu.memory_space<vmem>>, vector<16xf32>,
        %reduce_max3A = arith.constant true
        %reduce_max3A_41 = vector.broadcast %reduce_max3A : i1 to vector<16xi1>
        %reduce_max3A_42 = tpu.scan <max>, %scan3A_35 masked %reduce_max3A_41 : vector<16xf32>, vector<16xi1> -> vector<16xf32>
        %reduce_max3A_43 = vector.extract %reduce_max3A_42[15] : f32 from vector<16xf32>
        %lt3A = vector.broadcast %reduce_max3A_43 : f32 to vector<16xf32>
        %lt3A_44 = arith.cmpf olt, %get3A_40, %lt3A : vector<16xf32>
        %reduce_or3A = arith.constant 1.000000e+00 : f32
        %reduce_or3A_45 = arith.constant 0.000000e+00 : f32
        %reduce_or3A_46 = vector.broadcast %reduce_or3A : f32 to vector<16xf32>
        %reduce_or3A_47 = vector.broadcast %reduce_or3A_45 : f32 to vector<16xf32>
        %reduce_or3A_48 = arith.select %lt3A_44, %reduce_or3A_46, %reduce_or3A_47 : vector<16xi1>, vector<16xf32>
        %reduce_or3A_49 = arith.constant true
        %reduce_or3A_50 = vector.broadcast %reduce_or3A_49 : i1 to vector<16xi1>
        %reduce_or3A_51 = tpu.scan <max>, %reduce_or3A_48 masked %reduce_or3A_50 : vector<16xf32>, vector<16xi1> -> vector<16xf32>
        %reduce_or3A_52 = vector.extract %reduce_or3A_51[15] : f32 from vector<16xf32>
        %reduce_or3A_53 = arith.constant 0.000000e+00 : f32
        %reduce_or3A_54 = arith.cmpf ogt, %reduce_or3A_52, %reduce_or3A_53 : f32
        %convert_element_type3A = arith.extui %reduce_or3A_54 : i1 to i32
        %cond3A = arith.constant 0 : i32
        %cond3A_55 = arith.cmpi ne, %convert_element_type3A, %cond3A : i32
        %cond3A_56:2 = scf.if %cond3A_55 -> (vector<16xf32>, vector<16xi32>) {
          %mul3A_57 = arith.constant 16 : i32
          %mul3A_58 = arith.muli %scan3A_34, %mul3A_57 : i32
          %add3A_59 = vector.broadcast %mul3A_58 : i32 to vector<16xi32>
          %add3A_60 = arith.addi %iota3A, %add3A_59 : vector<16xi32>
          %sort3A_61 = arith.constant dense<true> : vector<16xi1>
          %sort3A_62, %sort3A_63, %sort3A_64 = tpu.sort %get3A_40, %add3A_60 masked %sort3A_61 : (vector<16xf32>, vector<16xi32>, vector<16xi1>) -> (vector<16xi1>, vector<16xf32>, vector<16xi32>)
          %rev3A = arith.constant 15 : i32
          %rev3A_65 = vector.broadcast %rev3A : i32 to vector<16xi32>
          %rev3A_66 = tpu.iota {dimensions = array<i32: 0>} : vector<16xi32>
          %rev3A_67 = arith.subi %rev3A_65, %rev3A_66 : vector<16xi32>
          %rev3A_68 = tpu.dynamic_gather %sort3A_63[%rev3A_67] in [0] : vector<16xf32>, vector<16xi32> -> vector<16xf32>
          %rev3A_69 = arith.constant 15 : i32
          %rev3A_70 = vector.broadcast %rev3A_69 : i32 to vector<16xi32>
          %rev3A_71 = tpu.iota {dimensions = array<i32: 0>} : vector<16xi32>
          %rev3A_72 = arith.subi %rev3A_70, %rev3A_71 : vector<16xi32>
          %rev3A_73 = tpu.dynamic_gather %sort3A_64[%rev3A_72] in [0] : vector<16xi32>, vector<16xi32> -> vector<16xi32>
          %le3A = arith.cmpf ole, %scan3A_35, %rev3A_68 : vector<16xf32>
          %select_n3A = arith.select %le3A, %scan3A_35, %rev3A_68 : vector<16xi1>, vector<16xf32>
          %select_n3A_74 = arith.select %le3A, %scan3A_36, %rev3A_73 : vector<16xi1>, vector<16xi32>
          %sort3A_75 = arith.constant dense<true> : vector<16xi1>
          %sort3A_76, %sort3A_77, %sort3A_78 = tpu.sort %select_n3A, %select_n3A_74 masked %sort3A_75 : (vector<16xf32>, vector<16xi32>, vector<16xi1>) -> (vector<16xi1>, vector<16xf32>, vector<16xi32>)
          scf.yield %sort3A_77, %sort3A_78 : vector<16xf32>, vector<16xi32>
        } else {
          scf.yield %scan3A_35, %scan3A_36 : vector<16xf32>, vector<16xi32>
        }
        scf.yield %cond3A_56#0, %cond3A_56#1 : vector<16xf32>, vector<16xi32>
      }
      %scan3A_25 = arith.constant 127 : i32
      %gather3A = tpu.vector_load_idx %arg7[%scan3A_24#1] : memref<2048xf32, #tpu.memory_space<vmem>>[vector<16xi32>], vector<16xf32>,
      %mul3A_26 = arith.constant 16 : i32
      %mul3A_27 = arith.muli %scan3A_13, %mul3A_26 : i32
      %swap3A = arith.index_cast %mul3A_27 : i32 to index
      %swap3A_28 = tpu.vector_load %arg8[%swap3A] {strides = array<i32>} : memref<1024xi32, #tpu.memory_space<vmem>>, vector<16xi32>,
      tpu.vector_store %arg8[%swap3A], %scan3A_24#1 {strides = array<i32>} : memref<1024xi32, #tpu.memory_space<vmem>>, vector<16xi32>,
      %mul3A_29 = arith.constant 16 : i32
      %mul3A_30 = arith.muli %scan3A_13, %mul3A_29 : i32
      %swap3A_31 = arith.index_cast %mul3A_30 : i32 to index
      %swap3A_32 = tpu.vector_load %arg9[%swap3A_31] {strides = array<i32>} : memref<1024xf32, #tpu.memory_space<vmem>>, vector<16xf32>,
      tpu.vector_store %arg9[%swap3A_31], %gather3A {strides = array<i32>} : memref<1024xf32, #tpu.memory_space<vmem>>, vector<16xf32>,
      %scan3A_33 = arith.constant 0 : i32
      scf.yield %scan3A_33 : i32
    }
    %scan3A_8 = arith.constant 64 : i32
    %mul3A_9 = arith.constant 16 : i32
    %mul3A_10 = arith.muli %mul3A_2, %mul3A_9 : i32
    "tpu.region"() ({
      %run_scoped3A = tpu.sem_alloc : memref<!tpu.dma_semaphore, #tpu.memory_space<semaphore_mem>>
      %dma_start3A = tpu.memref_slice %arg4[%mul3A_10] : memref<32768xi32, #tpu.memory_space<hbm>> -> memref<1024xi32, #tpu.memory_space<hbm>>
      %dma_start3A_13 = tpu.memref_slice %arg4[%mul3A_10] : memref<32768xi32, #tpu.memory_space<hbm>> -> memref<1024xi32, #tpu.memory_space<hbm>>
      tpu.enqueue_dma source(%arg8 : memref<1024xi32, #tpu.memory_space<vmem>>) target(%dma_start3A_13 : memref<1024xi32, #tpu.memory_space<hbm>>) target_semaphore(%run_scoped3A : memref<!tpu.dma_semaphore, #tpu.memory_space<semaphore_mem>>)
      %dma_wait3A = tpu.memref_slice %arg4[%mul3A_10] : memref<32768xi32, #tpu.memory_space<hbm>> -> memref<1024xi32, #tpu.memory_space<hbm>>
      %dma_wait3A_14 = tpu.memref_slice %arg4[%mul3A_10] : memref<32768xi32, #tpu.memory_space<hbm>> -> memref<1024xi32, #tpu.memory_space<hbm>>
      tpu.wait_dma2 semaphore(%run_scoped3A : memref<!tpu.dma_semaphore, #tpu.memory_space<semaphore_mem>>) src(%arg8 : memref<1024xi32, #tpu.memory_space<vmem>>) dst(%dma_wait3A_14 : memref<1024xi32, #tpu.memory_space<hbm>>)
      tpu.yield
    }) : () -> ()
    %mul3A_11 = arith.constant 16 : i32
    %mul3A_12 = arith.muli %mul3A_2, %mul3A_11 : i32
    "tpu.region"() ({
      %run_scoped3A = tpu.sem_alloc : memref<!tpu.dma_semaphore, #tpu.memory_space<semaphore_mem>>
      %dma_start3A = tpu.memref_slice %arg5[%mul3A_12] : memref<32768xf32, #tpu.memory_space<hbm>> -> memref<1024xf32, #tpu.memory_space<hbm>>
      %dma_start3A_13 = tpu.memref_slice %arg5[%mul3A_12] : memref<32768xf32, #tpu.memory_space<hbm>> -> memref<1024xf32, #tpu.memory_space<hbm>>
      tpu.enqueue_dma source(%arg9 : memref<1024xf32, #tpu.memory_space<vmem>>) target(%dma_start3A_13 : memref<1024xf32, #tpu.memory_space<hbm>>) target_semaphore(%run_scoped3A : memref<!tpu.dma_semaphore, #tpu.memory_space<semaphore_mem>>)
      %dma_wait3A = tpu.memref_slice %arg5[%mul3A_12] : memref<32768xf32, #tpu.memory_space<hbm>> -> memref<1024xf32, #tpu.memory_space<hbm>>
      %dma_wait3A_14 = tpu.memref_slice %arg5[%mul3A_12] : memref<32768xf32, #tpu.memory_space<hbm>> -> memref<1024xf32, #tpu.memory_space<hbm>>
      tpu.wait_dma2 semaphore(%run_scoped3A : memref<!tpu.dma_semaphore, #tpu.memory_space<semaphore_mem>>) src(%arg9 : memref<1024xf32, #tpu.memory_space<vmem>>) dst(%dma_wait3A_14 : memref<1024xf32, #tpu.memory_space<hbm>>)
      tpu.yield
    }) : () -> ()
    return
  }
}

module attributes {stable_mosaic.version = 14 : i64} {
  func.func @_gcn_body(%arg0: i32, %arg1: memref<256x2048xf32, #tpu.memory_space<vmem>>, %arg2: memref<2048x512xf32, #tpu.memory_space<vmem>>, %arg3: memref<512x512xf32, #tpu.memory_space<vmem>>, %arg4: memref<256x512xf32, #tpu.memory_space<vmem>>) attributes {dimension_semantics = [#tpu.dimension_semantics<arbitrary>], iteration_bounds = array<i64: 8>, scalar_prefetch = 0 : i64, scratch_operands = 0 : i64, tpu.core_type = #tpu.core_type<tc>, window_params = [{transform_indices = @transform_0, window_bounds = array<i64: 256, 2048>}, {pipeline_mode = #tpu.pipeline_mode<synchronous>, transform_indices = @transform_1, window_bounds = array<i64: 2048, 512>}, {pipeline_mode = #tpu.pipeline_mode<synchronous>, transform_indices = @transform_2, window_bounds = array<i64: 512, 512>}, {transform_indices = @transform_3, window_bounds = array<i64: 256, 512>}]} {
    %get3A = arith.constant 0 : index
    %get3A_0 = arith.constant 0 : index
    %get3A_1 = vector.load %arg1[%get3A, %get3A_0] : memref<256x2048xf32, #tpu.memory_space<vmem>>, vector<256x2048xf32>
    %get3A_2 = arith.constant 0 : index
    %get3A_3 = arith.constant 0 : index
    %get3A_4 = vector.load %arg2[%get3A_2, %get3A_3] : memref<2048x512xf32, #tpu.memory_space<vmem>>, vector<2048x512xf32>
    %dot_general3A = arith.constant dense<0.000000e+00> : vector<256x512xf32>
    %dot_general3A_5 = tpu.matmul %get3A_1, %get3A_4, %dot_general3A {dimension_numbers = #tpu.dot_dimension_numbers<[1], [0], [0], [1], [0, 0, 1, 1], [], []>, transpose_lhs_hint = false} : vector<256x2048xf32>, vector<2048x512xf32>, vector<256x512xf32> -> vector<256x512xf32>
    %get3A_6 = arith.constant 0 : index
    %get3A_7 = arith.constant 0 : index
    %get3A_8 = vector.load %arg3[%get3A_6, %get3A_7] : memref<512x512xf32, #tpu.memory_space<vmem>>, vector<512x512xf32>
    %dot_general3A_9 = arith.constant dense<0.000000e+00> : vector<256x512xf32>
    %dot_general3A_10 = tpu.matmul %dot_general3A_5, %get3A_8, %dot_general3A_9 {dimension_numbers = #tpu.dot_dimension_numbers<[1], [0], [0], [1], [0, 0, 1, 1], [], []>, transpose_lhs_hint = false} : vector<256x512xf32>, vector<512x512xf32>, vector<256x512xf32> -> vector<256x512xf32>
    %max3A = arith.constant 0.000000e+00 : f32
    %max3A_11 = vector.broadcast %max3A : f32 to vector<256x512xf32>
    %max3A_12 = arith.maximumf %dot_general3A_10, %max3A_11 : vector<256x512xf32>
    %swap3A = arith.constant 0 : index
    %swap3A_13 = arith.constant 0 : index
    %swap3A_14 = vector.load %arg4[%swap3A, %swap3A_13] : memref<256x512xf32, #tpu.memory_space<vmem>>, vector<256x512xf32>
    tpu.vector_store %arg4[%swap3A, %swap3A_13], %max3A_12 {strides = array<i32>} : memref<256x512xf32, #tpu.memory_space<vmem>>, vector<256x512xf32>,
    return
  }
  func.func @transform_0(%arg0: i32) -> (i32, i32) {
    %c0_i32 = arith.constant 0 : i32
    %c0_i32_0 = arith.constant 0 : i32
    return %arg0, %c0_i32 : i32, i32
  }
  func.func @transform_1(%arg0: i32) -> (i32, i32) {
    %c0_i32 = arith.constant 0 : i32
    %c0_i32_0 = arith.constant 0 : i32
    %c0_i32_1 = arith.constant 0 : i32
    return %c0_i32, %c0_i32_0 : i32, i32
  }
  func.func @transform_2(%arg0: i32) -> (i32, i32) {
    %c0_i32 = arith.constant 0 : i32
    %c0_i32_0 = arith.constant 0 : i32
    %c0_i32_1 = arith.constant 0 : i32
    return %c0_i32, %c0_i32_0 : i32, i32
  }
  func.func @transform_3(%arg0: i32) -> (i32, i32) {
    %c0_i32 = arith.constant 0 : i32
    %c0_i32_0 = arith.constant 0 : i32
    return %arg0, %c0_i32 : i32, i32
  }
}

module attributes {stable_mosaic.version = 14 : i64} {
  func.func @_pdist_body(%arg0: i32, %arg1: memref<256x512xf32, #tpu.memory_space<vmem>>, %arg2: memref<2048x512xf32, #tpu.memory_space<vmem>>, %arg3: memref<256x1xf32, #tpu.memory_space<vmem>>, %arg4: memref<1x2048xf32, #tpu.memory_space<vmem>>, %arg5: memref<1x1xf32, #tpu.memory_space<smem>>, %arg6: memref<256x2048xf32, #tpu.memory_space<vmem>>) attributes {dimension_semantics = [#tpu.dimension_semantics<arbitrary>], iteration_bounds = array<i64: 8>, scalar_prefetch = 0 : i64, scratch_operands = 0 : i64, tpu.core_type = #tpu.core_type<tc>, window_params = [{transform_indices = @transform_0, window_bounds = array<i64: 256, 512>}, {pipeline_mode = #tpu.pipeline_mode<synchronous>, transform_indices = @transform_1, window_bounds = array<i64: 2048, 512>}, {transform_indices = @transform_2, window_bounds = array<i64: 256, 1>}, {pipeline_mode = #tpu.pipeline_mode<synchronous>, transform_indices = @transform_3, window_bounds = array<i64: 1, 2048>}, {transform_indices = @transform_4, window_bounds = array<i64: 1, 1>}, {transform_indices = @transform_5, window_bounds = array<i64: 256, 2048>}]} {
    %get3A = arith.constant 0 : index
    %get3A_0 = arith.constant 0 : index
    %get3A_1 = vector.load %arg1[%get3A, %get3A_0] : memref<256x512xf32, #tpu.memory_space<vmem>>, vector<256x512xf32>
    %get3A_2 = arith.constant 0 : index
    %get3A_3 = arith.constant 0 : index
    %get3A_4 = vector.load %arg2[%get3A_2, %get3A_3] : memref<2048x512xf32, #tpu.memory_space<vmem>>, vector<2048x512xf32>
    %get3A_5 = arith.constant 0 : index
    %get3A_6 = arith.constant 0 : index
    %get3A_7 = memref.load %arg5[%get3A_5, %get3A_6] : memref<1x1xf32, #tpu.memory_space<smem>>
    %dot_general3A = arith.constant dense<0.000000e+00> : vector<256x2048xf32>
    %dot_general3A_8 = tpu.matmul %get3A_1, %get3A_4, %dot_general3A {dimension_numbers = #tpu.dot_dimension_numbers<[1], [1], [0], [0], [0, 0, 1, 0], [], []>, transpose_lhs_hint = false} : vector<256x512xf32>, vector<2048x512xf32>, vector<256x2048xf32> -> vector<256x2048xf32>
    %get3A_9 = arith.constant 0 : index
    %get3A_10 = arith.constant 0 : index
    %get3A_11 = vector.load %arg3[%get3A_9, %get3A_10] : memref<256x1xf32, #tpu.memory_space<vmem>>, vector<256x1xf32>
    %get3A_12 = arith.constant 0 : index
    %get3A_13 = arith.constant 0 : index
    %get3A_14 = vector.load %arg4[%get3A_12, %get3A_13] : memref<1x2048xf32, #tpu.memory_space<vmem>>, vector<1x2048xf32>
    %add3A = vector.broadcast %get3A_11 : vector<256x1xf32> to vector<256x2048xf32>
    %add3A_15 = vector.broadcast %get3A_14 : vector<1x2048xf32> to vector<256x2048xf32>
    %add3A_16 = arith.addf %add3A, %add3A_15 : vector<256x2048xf32>
    %mul3A = arith.constant 2.000000e+00 : f32
    %mul3A_17 = vector.broadcast %mul3A : f32 to vector<256x2048xf32>
    %mul3A_18 = arith.mulf %mul3A_17, %dot_general3A_8 : vector<256x2048xf32>
    %sub3A = arith.subf %add3A_16, %mul3A_18 : vector<256x2048xf32>
    %mul3A_19 = vector.broadcast %get3A_7 : f32 to vector<256x2048xf32>
    %mul3A_20 = arith.mulf %sub3A, %mul3A_19 : vector<256x2048xf32>
    %swap3A = arith.constant 0 : index
    %swap3A_21 = arith.constant 0 : index
    %swap3A_22 = vector.load %arg6[%swap3A, %swap3A_21] : memref<256x2048xf32, #tpu.memory_space<vmem>>, vector<256x2048xf32>
    tpu.vector_store %arg6[%swap3A, %swap3A_21], %mul3A_20 {strides = array<i32>} : memref<256x2048xf32, #tpu.memory_space<vmem>>, vector<256x2048xf32>,
    return
  }
  func.func @transform_0(%arg0: i32) -> (i32, i32) {
    %c0_i32 = arith.constant 0 : i32
    %c0_i32_0 = arith.constant 0 : i32
    return %arg0, %c0_i32 : i32, i32
  }
  func.func @transform_1(%arg0: i32) -> (i32, i32) {
    %c0_i32 = arith.constant 0 : i32
    %c0_i32_0 = arith.constant 0 : i32
    %c0_i32_1 = arith.constant 0 : i32
    return %c0_i32, %c0_i32_0 : i32, i32
  }
  func.func @transform_2(%arg0: i32) -> (i32, i32) {
    %c0_i32 = arith.constant 0 : i32
    %c0_i32_0 = arith.constant 0 : i32
    return %arg0, %c0_i32 : i32, i32
  }
  func.func @transform_3(%arg0: i32) -> (i32, i32) {
    %c0_i32 = arith.constant 0 : i32
    %c0_i32_0 = arith.constant 0 : i32
    %c0_i32_1 = arith.constant 0 : i32
    return %c0_i32, %c0_i32_0 : i32, i32
  }
  func.func @transform_4(%arg0: i32) -> (i32, i32) {
    %c0_i32 = arith.constant 0 : i32
    %c0_i32_0 = arith.constant 0 : i32
    %c0_i32_1 = arith.constant 0 : i32
    return %c0_i32, %c0_i32_0 : i32, i32
  }
  func.func @transform_5(%arg0: i32) -> (i32, i32) {
    %c0_i32 = arith.constant 0 : i32
    %c0_i32_0 = arith.constant 0 : i32
    return %arg0, %c0_i32 : i32, i32
  }
}

module attributes {stable_mosaic.version = 14 : i64} {
  func.func @_d2_body(%arg0: i32, %arg1: i32, %arg2: memref<256x2048xf32, #tpu.memory_space<vmem>>, %arg3: memref<256x2048xf32, #tpu.memory_space<vmem>>, %arg4: memref<256x1xf32, #tpu.memory_space<vmem>>, %arg5: memref<1x256xf32, #tpu.memory_space<vmem>>, %arg6: memref<256x256xf32, #tpu.memory_space<vmem>>) attributes {dimension_semantics = [#tpu.dimension_semantics<arbitrary>, #tpu.dimension_semantics<arbitrary>], iteration_bounds = array<i64: 8, 8>, scalar_prefetch = 0 : i64, scratch_operands = 0 : i64, tpu.core_type = #tpu.core_type<tc>, window_params = [{transform_indices = @transform_0, window_bounds = array<i64: 256, 2048>}, {transform_indices = @transform_1, window_bounds = array<i64: 256, 2048>}, {transform_indices = @transform_2, window_bounds = array<i64: 256, 1>}, {transform_indices = @transform_3, window_bounds = array<i64: 1, 256>}, {transform_indices = @transform_4, window_bounds = array<i64: 256, 256>}]} {
    %get3A = arith.constant 0 : index
    %get3A_0 = arith.constant 0 : index
    %get3A_1 = vector.load %arg2[%get3A, %get3A_0] : memref<256x2048xf32, #tpu.memory_space<vmem>>, vector<256x2048xf32>
    %get3A_2 = arith.constant 0 : index
    %get3A_3 = arith.constant 0 : index
    %get3A_4 = vector.load %arg3[%get3A_2, %get3A_3] : memref<256x2048xf32, #tpu.memory_space<vmem>>, vector<256x2048xf32>
    %dot_general3A = arith.constant dense<0.000000e+00> : vector<256x256xf32>
    %dot_general3A_5 = tpu.matmul %get3A_1, %get3A_4, %dot_general3A {dimension_numbers = #tpu.dot_dimension_numbers<[1], [1], [0], [0], [0, 0, 1, 0], [], []>, transpose_lhs_hint = false} : vector<256x2048xf32>, vector<256x2048xf32>, vector<256x256xf32> -> vector<256x256xf32>
    %get3A_6 = arith.constant 0 : index
    %get3A_7 = arith.constant 0 : index
    %get3A_8 = vector.load %arg4[%get3A_6, %get3A_7] : memref<256x1xf32, #tpu.memory_space<vmem>>, vector<256x1xf32>
    %get3A_9 = arith.constant 0 : index
    %get3A_10 = arith.constant 0 : index
    %get3A_11 = vector.load %arg5[%get3A_9, %get3A_10] : memref<1x256xf32, #tpu.memory_space<vmem>>, vector<1x256xf32>
    %add3A = vector.broadcast %get3A_8 : vector<256x1xf32> to vector<256x256xf32>
    %add3A_12 = vector.broadcast %get3A_11 : vector<1x256xf32> to vector<256x256xf32>
    %add3A_13 = arith.addf %add3A, %add3A_12 : vector<256x256xf32>
    %mul3A = arith.constant 2.000000e+00 : f32
    %mul3A_14 = vector.broadcast %mul3A : f32 to vector<256x256xf32>
    %mul3A_15 = arith.mulf %mul3A_14, %dot_general3A_5 : vector<256x256xf32>
    %sub3A = arith.subf %add3A_13, %mul3A_15 : vector<256x256xf32>
    %swap3A = arith.constant 0 : index
    %swap3A_16 = arith.constant 0 : index
    %swap3A_17 = vector.load %arg6[%swap3A, %swap3A_16] : memref<256x256xf32, #tpu.memory_space<vmem>>, vector<256x256xf32>
    tpu.vector_store %arg6[%swap3A, %swap3A_16], %sub3A {strides = array<i32>} : memref<256x256xf32, #tpu.memory_space<vmem>>, vector<256x256xf32>,
    return
  }
  func.func @transform_0(%arg0: i32, %arg1: i32) -> (i32, i32) {
    %c0_i32 = arith.constant 0 : i32
    %c0_i32_0 = arith.constant 0 : i32
    return %arg0, %c0_i32 : i32, i32
  }
  func.func @transform_1(%arg0: i32, %arg1: i32) -> (i32, i32) {
    %c0_i32 = arith.constant 0 : i32
    %c0_i32_0 = arith.constant 0 : i32
    return %arg1, %c0_i32 : i32, i32
  }
  func.func @transform_2(%arg0: i32, %arg1: i32) -> (i32, i32) {
    %c0_i32 = arith.constant 0 : i32
    %c0_i32_0 = arith.constant 0 : i32
    return %arg0, %c0_i32 : i32, i32
  }
  func.func @transform_3(%arg0: i32, %arg1: i32) -> (i32, i32) {
    %c0_i32 = arith.constant 0 : i32
    %c0_i32_0 = arith.constant 0 : i32
    return %c0_i32, %arg1 : i32, i32
  }
  func.func @transform_4(%arg0: i32, %arg1: i32) -> (i32, i32) {
    %c0_i32 = arith.constant 0 : i32
    return %arg0, %arg1 : i32, i32
  }
}

</mosaic_0001>

<sc_bundles>
// kernel: kernel.6.cloned.1.call-start
scs
__scs_entry_jumppad:
0x0: {  	(pc) =	sbr.rel $0x88, $3  }
0x1: {  	(tag) =	ssettag $0x0;
	lr =	simm.s32 $0x1  }
0x2: {  	[smem:$0x3F9D] =	sst lr;
	_ =	strace $0xD0000000  }
0x3: {  	_ = 	snop  }
0x4: {  	_ = 	snop  }
0x5: {  	_ = 	snop  }
0x6: {  	_ = 	snop  }
0x7: {  	_ = 	snop  }
__scs_overlays_trampoline_lowered:
0x8: {  	[smem:$0x3FAC] =	sst s0  }
0x9: {  	[smem:$0x3FAD] =	sst s1  }
0xa: {  	[smem:$0x3FAE] =	sst s2  }
0xb: {  	[smem:$0x3FAF] =	sst s3  }
0xc: {  	[smem:$0x3FB0] =	sst s4  }
0xd: {  	[smem:$0x3FB1] =	sst s5  }
0xe: {  	[smem:$0x3FB2] =	sst s6  }
0xf: {  	[smem:$0x3FB3] =	sst s7  }
0x10: {  	[smem:$0x3FB4] =	sst s8  }
0x11: {  	[smem:$0x3FB5] =	sst s9;
	s0 =	simm.s32 @!p0 $0x0  }
0x12: {  	s1 =	sld [smem:$0x3F9B];
	s0 =	simm.s32 @p0 $0x1  }
0x13: {  	[smem:$0x3FB6] =	sst s0;
	s0 =	simm.s32 @!p1 $0x0  }
0x14: {  	s2 =	sld [smem:$0x3F9A];
	s0 =	simm.s32 @p1 $0x1  }
0x15: {  	[smem:$0x3FB7] =	sst s0;
	s0 =	simm.s32 @!p2 $0x0  }
0x16: {  	s3 =	sld [smem:$0x3FDB];
	s0 =	simm.s32 @p2 $0x1  }
0x17: {  	s4 =	simm.s32 $0x1BF5;
	[smem:$0x3FB9] =	sst s0  }
0x18: {  	s0 =	sld [smem:$0x3F9C];
	_ =	swait.ge [sflag:s4], $0x0  }
0x19: {  	s7 =	sld [smem:$0x3F9D]  }
0x1a: {  	s8 =	sadd.s32 $0xFFFFE003, lr  }
0x1b: {  	s9 =	sadd.s32 $0xFFFFFEF7, lr;
	s5 =	simm.s32 $0xFFFFFFFF;
	p2 =	slt.u32 s8, $0xFFFFF086  }
0x1c: {  	p1 =	slt.u32 s9, $0xF7A;
	s5 =	simm.s32 @!p2 $0x0  }
0x1d: {  	s5 =	simm.s32 @p1 $0x1;
	p0 =	seq.s32 s7, s2  }
0x1e: {  	s7 =	smul.u32 @!p0 $0xF7A, s2;
	p2 =	seq.s32 @!p0 s5, $0x0  }
0x1f: {  	s9 =	smul.u32 $0xF7A, s1;
	s8 =	simm.s32 @!p0 $0x1BF5;
	p2 =	por !p2, p0  }
0x20: {  	[sflag:s8] =	ssyncset.s32 @!p0 $0xFFFFF086;
	s6 =	sadd.s32 @!p0 s3, s7;
	s7 =	simm.s32 @!p0 $0x108  }
0x21: {  	s3 =	sadd.s32 s3, s9;
	s6 =	sadd.s32 @!p0 $0x88, s6;
	s7 =	simm.s32 @p2 $0x1082  }
0x22: {  	[simem:s7], [sflag:s8] =	dma.local @!p0 [hbm:s6], $0xF7A  }
0x23: {  	s9 =	sor.u32 $0xD0000000, s2;
	s6 =	simm.s32 $0x108;
	_ =	swait.ge @!p0 [sflag:s8], $0x0  }
0x24: {  	s3 =	sadd.s32 $0x88, s3;
	s6 =	simm.s32 @!p1 $0x1082;
	[sflag:s4] =	ssyncset.s32 $0xFFFFF086  }
0x25: {  	[simem:s6], [sflag:s4] =	dma.local [hbm:s3], $0xF7A  }
0x26: {  	[smem:$0x3F9D] =	sst s1;
	(tag) =	ssettag s2;
	_ =	strace s9  }
0x27: {  	s1 =	sld [smem:$0x3FAD]  }
0x28: {  	s2 =	sld [smem:$0x3FAE]  }
0x29: {  	s4 =	sld [smem:$0x3FB0]  }
0x2a: {  	p0 =	seq.s32 s5, $0x0;
	s5 =	sld [smem:$0x3FB1]  }
0x2b: {  	s6 =	sld [smem:$0x3FB2]  }
0x2c: {  	s7 =	sld [smem:$0x3FB3]  }
0x2d: {  	s3 =	simm.s32 $0x108;
	s8 =	sld [smem:$0x3FB4]  }
0x2e: {  	s3 =	simm.s32 @!p0 $0x1082;
	s9 =	sld [smem:$0x3FB5]  }
0x2f: {  	lr =	sadd.s32 s0, s3;
	s0 =	sld [smem:$0x3FAC]  }
0x30: {  	s3 =	sld [smem:$0x3FAF]  }
0x31: {  	[smem:$0x3FB8] =	sst s10  }
0x32: {  	s10 =	sld [smem:$0x3FB6];
	_ =	sdelay $0x3  }
0x33: {  	p0 =	seq.s32 s10, $0x1;
	s10 =	sld [smem:$0x3FB8];
	_ =	sdelay $0x3  }
0x34: {  	[smem:$0x3FB8] =	sst s10  }
0x35: {  	s10 =	sld [smem:$0x3FB7];
	_ =	sdelay $0x3  }
0x36: {  	p1 =	seq.s32 s10, $0x1;
	s10 =	sld [smem:$0x3FB8];
	_ =	sdelay $0x3  }
0x37: {  	[smem:$0x3FB8] =	sst s10  }
0x38: {  	s10 =	sld [smem:$0x3FB9]  }
0x39: {  	_ = 	snop;
	(pc) =	sbr.ind lr, $3  }
0x3a: {  	_ = 	snop  }
0x3b: {  	_ = 	snop  }
0x3c: {  	p2 =	seq.s32 s10, $0x1;
	s10 =	sld [smem:$0x3FB8]  }
0x3d: {  	_ =	shalt  }
0x3e: {  	_ =	shalt  }
0x3f: {  	_ =	shalt  }
0x40: {  	_ =	shalt  }
0x41: {  	_ =	shalt  }
0x42: {  	_ =	shalt  }
0x43: {  	_ =	shalt  }
0x44: {  	_ =	shalt  }
0x45: {  	_ =	shalt  }
0x46: {  	_ =	shalt  }
0x47: {  	_ =	shalt  }
0x48: {  	_ =	shalt  }
0x49: {  	_ =	shalt  }
0x4a: {  	_ =	shalt  }
0x4b: {  	_ =	shalt  }
0x4c: {  	_ =	shalt  }
0x4d: {  	_ =	shalt  }
0x4e: {  	_ =	shalt  }
0x4f: {  	_ =	shalt  }
0x50: {  	_ =	shalt  }
0x51: {  	_ =	shalt  }
0x52: {  	_ =	shalt  }
0x53: {  	_ =	shalt  }
0x54: {  	_ =	shalt  }
0x55: {  	_ =	shalt  }
0x56: {  	_ =	shalt  }
0x57: {  	_ =	shalt  }
0x58: {  	_ =	shalt  }
0x59: {  	_ =	shalt  }
0x5a: {  	_ =	shalt  }
0x5b: {  	_ =	shalt  }
0x5c: {  	_ =	shalt  }
0x5d: {  	_ =	shalt  }
0x5e: {  	_ =	shalt  }
0x5f: {  	_ =	shalt  }
0x60: {  	_ =	shalt  }
0x61: {  	_ =	shalt  }
0x62: {  	_ =	shalt  }
0x63: {  	_ =	shalt  }
0x64: {  	_ =	shalt  }
0x65: {  	_ =	shalt  }
0x66: {  	_ =	shalt  }
0x67: {  	_ =	shalt  }
0x68: {  	_ =	shalt  }
0x69: {  	_ =	shalt  }
0x6a: {  	_ =	shalt  }
0x6b: {  	_ =	shalt  }
0x6c: {  	_ =	shalt  }
0x6d: {  	_ =	shalt  }
0x6e: {  	_ =	shalt  }
0x6f: {  	_ =	shalt  }
0x70: {  	_ =	shalt  }
0x71: {  	_ =	shalt  }
0x72: {  	_ =	shalt  }
0x73: {  	_ =	shalt  }
0x74: {  	_ =	shalt  }
0x75: {  	_ =	shalt  }
0x76: {  	_ =	shalt  }
0x77: {  	_ =	shalt  }
0x78: {  	_ =	shalt  }
0x79: {  	_ =	shalt  }
0x7a: {  	_ =	shalt  }
0x7b: {  	_ =	shalt  }
0x7c: {  	_ =	shalt  }
0x7d: {  	_ =	shalt  }
0x7e: {  	_ =	shalt  }
0x7f: {  	_ =	shalt  }
0x80: {  	_ =	shalt  }
0x81: {  	_ =	shalt  }
0x82: {  	_ =	shalt  }
0x83: {  	_ =	shalt  }
0x84: {  	_ =	shalt  }
0x85: {  	_ =	shalt  }
0x86: {  	_ =	shalt  }
0x87: {  	_ =	shalt  }
.Lfunc_end0:
.L_simem_size_0:
called_computation_lowered:
.L_overlay_start_0:
0x88: {  	s2 =	sld [smem:$0x3FD9]  }
0x89: {  	s3 =	sld [smem:$0x3FFE];
	_ =	sdelay $0x1  }
0x8a: {  	s1 =	srdreg.scid  }
0x8b: {  	s0 =	sand.u32 $0x1, s1  }
0x8c: {  	s14 =	sshll.u32 s0, $0xA;
	s2 =	sadd.s32 s3, s2  }
0x8d: {  	s2 =	sadd.s32 s2, s14  }
0x8e: {  	[smem:$0x3FC4] =	sst s2  }
0x8f: {  	_ = 	snop  }
0x90: {  	s2 =	sld [smem:$0x3FD0];
	_ =	sdelay $0x2  }
0x91: {  	s15 =	simm.s32 $0xA;
	s4 =	simm.s32 $0x10  }
0x92: {  	[smem:s4], [sflag:s15] =	dma.local [hbm:s2], $0x1  }
0x93: {  	_ =	swait.eq [sflag:s15], $0x1  }
0x94: {  	[sflag:s15] =	ssyncset.done $0x0  }
0x95: {  	[sflag:s15] =	ssyncadd.s32 $0xFFFFFFFF  }
0x96: {  	s16 =	sld [smem:$0x12];
	(tm) =	ssettm $0x1  }
0x97: {  	s17 =	sld [smem:$0x3FFB];
	_ =	sdelay $0x3  }
0x98: {  	_ =	strace s17  }
0x99: {  	s3 =	sld [smem:$0x3FFC];
	_ =	sdelay $0x3  }
0x9a: {  	_ =	strace s3  }
0x9b: {  	s3 =	sld [smem:$0x3FFD];
	_ =	sdelay $0x3  }
0x9c: {  	_ =	strace s3  }
0x9d: {  	_ =	strace $0x8FFFFFFF  }
0x9e: {  	s18 =	sld [smem:$0x3FDB];
	_ =	sdelay $0x1  }
0x9f: {  	s19 =	simm.s32 $_scs_section_size  }
0xa0: {  	s5 =	simm.s32 $_size__tile_overlayer_lowered;
	s6 =	simm.s32 $_tile_overlayer_lowered  }
0xa1: {  	s22 =	simm.s32 $0x1BFF;
	s21 =	sshll.u32 s6, $0x1;
	s3 =	sadd.s32 s19, s18  }
0xa2: {  	s7 =	simm.s32 $0x0;
	s20 =	sshll.u32 s5, $0x1;
	s5 =	sadd.s32 s21, s3  }
0xa3: {  	[timem:s7], [sflag:s22] =	dma.local [hbm:s5], s20  }
0xa4: {  	_ =	swait.ge [sflag:s22], s20  }
0xa5: {  	s4 =	ssub.s32 $0x0, s20;
	[sflag:s22] =	ssyncset.done $0x0  }
0xa6: {  	[sflag:s22] =	ssyncadd.s32 s4;
	_ =	sdelay $0x1  }
0xa7: {  	s23 =	simm.s32 $0x1B8B  }
0xa8: {  	_ =	swait.ge [sflag:s23], $0x1  }
0xa9: {  	[sflag:s23] =	ssyncset.done $0x0  }
0xaa: {  	s25 =	simm.s32 $0x1B8E;
	s24 =	sld [smem:$0x3FFE];
	[sflag:s23] =	ssyncadd.s32 $0xFFFFFFFF  }
0xab: {  	s26 =	simm.s32 $execute0_lowered;
	[smem:$0x3FD2] =	sst s25  }
0xac: {  	s5 =	sshll.u32 s26, $0x1;
	_ =	strace $0x80000046;
	[dreg:$0x1] =	wrdreg $0xFFFFFFFF  }
0xad: {  	s28 =	simm.s32 $_size_execute0_lowered;
	s3 =	sadd.s32 s3, s5;
	[dreg:$0x0] =	wrdreg $0x0  }
0xae: {  	s5 =	sshll.u32 s28, $0x1;
	[dreg:$0x2] =	wrdreg s3  }
0xaf: {  	[dreg:$0x3] =	wrdreg s5  }
0xb0: {  	[dreg:$0x4] =	wrdreg $0xC0  }
0xb1: {  	_ =	task [dreg:s7], $0x5FFFF  }
0xb2: {  	[dreg:$0x1] =	wrdreg $0xFFFFFFFF  }
0xb3: {  	[dreg:$0x0] =	wrdreg $0x60  }
0xb4: {  	[dreg:$0x2] =	wrdreg s24  }
0xb5: {  	[dreg:$0x3] =	wrdreg s16  }
0xb6: {  	[dreg:$0x4] =	wrdreg $0x9  }
0xb7: {  	_ =	task.clear_ibuf [dreg:s7], $0x5FFFF;
	_ =	strace $0x90000046  }
0xb8: {  	s29 =	simm.s32 $0x9;
	_ =	strace $0x80000048  }
0xb9: {  	_ =	swait.ge [sflag:s29], $0x1  }
0xba: {  	[sflag:s29] =	ssyncadd.s32 $0xFFFFFFFF  }
0xbb: {  	_ =	strace $0x90000048  }
0xbc: {  	_ =	sfence  }
0xbd: {  	s30 =	sld [smem:$0x0];
	_ =	sdelay $0x2  }
0xbe: {  	s31 =	sshll.u32 s1, $0xD;
	s1 =	sshrl.u32 s1, $0x2  }
0xbf: {  	s3 =	sand.u32 $0x4000, s31;
	s1 =	sadd.s32 s1, s30  }
0xc0: {  	s0 =	sor.u32 s3, s0;
	s1 =	sshll.u32 s1, $0x11  }
0xc1: {  	s0 =	sor.u32 s1, s0  }
0xc2: {  	s0 =	sadd.s32 $0x8F2B, s0  }
0xc3: {  	[sflag:s0] =	ssyncadd.remote.s32 $0x1  }
0xc4: {  	_ =	sfence.sel $0xFFFF  }
0xc5: {  	[dreg:$0x0] =	wrdreg $0xFFFFFFFF;
	(pc) =	sbr.abs _section_cstart, $3  }
0xc6: {  	[dreg:$0x1] =	wrdreg $0xFFFFFFFF  }
0xc7: {  	_ =	task.clear_ibuf [dreg:s7], $0x2FFFF;
	_ =	strace $0x9FFFFFFF  }
0xc8: {  	(tm) =	ssettm $0x7FFFFFFF  }
0xc9: {  	_ =	shalt  }
tec
execute0_lowered:
.L_overlay_start_1:
0x0: {  	(tag) =	ssettag $0x1  }
0x1: {  	s5 =	rddreg [dreg:$0x0]  }
0x2: {  	s7 =	rddreg [dreg:$0x1]  }
0x3: {  	s0 =	rddreg [dreg:$0x2];
	s2 =	simm.s32 $0x0;
	s3 =	srdreg.scid  }
0x4: {  	s1 =	stileid.u32;
	s11 =	simm.s32 $0x1;
	s12 =	simm.s32 $0x800  }
0x5: {  	s13 =	simm.s32 $0x1000;
	s14 =	simm.s32 $0x1400;
	s15 =	simm.s32 $0x0  }
0x6: {  	[smem:$0x7FF] =	sst s2;
	s4 =	sand.u32 $0x1, s3;
	s30 =	sshll.u32 s1, $0x1  }
0x7: {  	s3 =	sadd.s32 $0x82000, s5;
	s6 =	sor.u32 s4, s30;
	s9 =	ssub.s32 $0x2, s4  }
0x8: {  	_ =	strace $0x80000047;
	s8 =	sshll.u32 s6, $0x7;
	s31 =	sshrl.u32 s9, $0x1  }
0x9: {  	s4 =	sadd.s32 $0x2000, s5;
	s10 =	sadd.s32 s8, s5;
	s9 =	ssub.s32 s9, s31  }
0xa: {  	s5 =	sshll.u32 s6, $0xE;
	s7 =	sadd.s32 s7, s8;
	s6 =	sadd.s32 $0x102000, s10  }
0xb: {  	v0 =	vlaneseq.u32;
	v1 =	vimm.f32 $0.0e+00;
	s8 =	smax.u32 s9, $0x1;
	s9 =	simm.s32 $0x80;
	s10 =	simm.s32 $0x400  }
.LBB2_1:
0xc: {  	s16 =	simm.s32 $0x0  }
.LBB2_2:
0xd: {  	s17 =	sshll.u32 s16, $0x8  }
0xe: {  	s18 =	sand.u32 $0x3800, s17;
	s17 =	sshll.u32 s16, $0x4  }
0xf: {  	s18 =	sor.u32 s5, s18;
	s19 =	sand.u32 $0x70, s17  }
0x10: {  	s18 =	sor.u32 s19, s18  }
0x11: {  	s19 =	sadd.s32 s3, s18  }
0x12: {  	[tilespmem:s2], [sflag:$0x1] =	stream.strided.gather [hbm4b:s19+s9], $0x800, s10, s9, $0x38;
	[tilespmem:$0x1800] =	vst v63  }
0x13: {  	_ =	swait.ge [sflag:s11], $0x800  }
0x14: {  	[sflag:s11] =	ssyncset.done $0x0  }
0x15: {  	s18 =	sadd.s32 s4, s18;
	[sflag:s11] =	ssyncadd.s32 $0xFFFFF800  }
0x16: {  	[tilespmem:s12], [sflag:$0x1] =	stream.strided.gather [hbm4b:s18+s9], $0x800, s10, s9, $0x38;
	[tilespmem:$0x1800] =	vst v63  }
0x17: {  	_ =	swait.ge [sflag:s11], $0x800  }
0x18: {  	[sflag:s11] =	ssyncset.done $0x0  }
0x19: {  	[sflag:s11] =	ssyncadd.s32 $0xFFFFF800  }
0x1a: {  	v2 =	vld [tilespmem:$0x0];
	_ =	sdelay $0x4  }
0x1b: {  	(xrf1) =	vsort.ascd.msk.f32 $0xffff, v2, v0;
	_ =	sdelay $0xd  }
0x1c: {  	v2, v4, _ =	vpop (xrf1)  }
0x1d: {  	(xrf0) =	vmax.scan.msk.f32 $0xffff, v2;
	_ =	sdelay $0x2  }
0x1e: {  	s18 =	simm.s32 $0x10  }
0x1f: {  	v3 =	vld [tilespmem:s18+$0x0];
	_ =	sdelay $0x1  }
0x20: {  	v5, _, _ =	vpop (xrf0)  }
0x21: {  	v5 =	vbroadcast v5, $0xF;
	_ =	sdelay $0x1  }
0x22: {  	vm0 =	vlt.f32 v3, v5  }
0x23: {  	v5 =	vsel vm0, $0x3F800000, v1  }
0x24: {  	(xrf0) =	vmax.scan.msk.f32 $0xffff, v5;
	_ =	sdelay $0x5  }
0x25: {  	v5, _, _ =	vpop (xrf0)  }
0x26: {  	(v2sf) =	vpush v5, $0xF;
	_ =	sdelay $0xe  }
0x27: {  	s31 =	spop (v2sf)  }
0x28: {  	p0 =	sgt.f32 s31, $0.0e+00;
	_ =	sdelay $0x1  }
0x29: {  	v5 =	vlaneseq.u32 @p0  }
0x2a: {  	v6 =	vor.u32 @p0 s18, v5  }
0x2b: {  	(xrf1) =	vsort.ascd.msk.f32 @p0 $0xffff, v3, v6;
	_ =	sdelay $0xb  }
0x2c: {  	v3 =	vmul.u32 @p0 $0xFFFFFFFF, v5;
	_ =	sdelay $0x1  }
0x2d: {  	v3 =	vadd.s32 @p0 $0xF, v3;
	v5, v6, _ =	vpop @p0 (xrf1)  }
0x2e: {  	v5 =	vperm.xlane @p0 v5, v3  }
0x2f: {  	v3 =	vperm.xlane @p0 v6, v3  }
0x30: {  	vm0 =	vle.f32 @p0 v2, v5  }
0x31: {  	v5 =	vsel @p0 vm0, v2, v5;
	v3 =	vsel @p0 vm0, v4, v3  }
0x32: {  	(xrf1) =	vsort.ascd.msk.f32 @p0 $0xffff, v5, v3;
	_ =	sdelay $0xd  }
0x33: {  	v3, v5, _ =	vpop @p0 (xrf1)  }
0x34: {  	s19 =	simm.s32 $0x20;
	v3 =	vpsel p0, v3, v2;
	v2 =	vpsel p0, v5, v4  }
.LBB2_3:
0x35: {  	(xrf0) =	vmax.scan.msk.f32 $0xffff, v3;
	s20 =	smov.u32 s19;
	s19 =	sadd.s32 $0x10, s19  }
0x36: {  	p0 =	sne.s32 s19, $0x800;
	_ =	sdelay $0x1  }
0x37: {  	s18 =	sadd.s32 $0x10, s18  }
0x38: {  	v4 =	vld [tilespmem:s18+$0x0];
	_ =	sdelay $0x1  }
0x39: {  	v5, _, _ =	vpop (xrf0)  }
0x3a: {  	v5 =	vbroadcast v5, $0xF;
	_ =	sdelay $0x1  }
0x3b: {  	vm0 =	vlt.f32 v4, v5  }
0x3c: {  	v5 =	vsel vm0, $0x3F800000, v1  }
0x3d: {  	(xrf0) =	vmax.scan.msk.f32 $0xffff, v5;
	_ =	sdelay $0x5  }
0x3e: {  	v5, _, _ =	vpop (xrf0)  }
0x3f: {  	(v2sf) =	vpush v5, $0xF;
	_ =	sdelay $0xe  }
0x40: {  	s21 =	spop (v2sf)  }
0x41: {  	p1 =	sgt.f32 s21, $0.0e+00;
	_ =	sdelay $0x1  }
0x42: {  	v5 =	vlaneseq.u32 @p1  }
0x43: {  	v6 =	vor.u32 @p1 s20, v5  }
0x44: {  	(xrf1) =	vsort.ascd.msk.f32 @p1 $0xffff, v4, v6;
	_ =	sdelay $0xb  }
0x45: {  	v4 =	vmul.u32 @p1 $0xFFFFFFFF, v5;
	_ =	sdelay $0x1  }
0x46: {  	v4 =	vadd.s32 @p1 $0xF, v4;
	v5, v6, _ =	vpop @p1 (xrf1)  }
0x47: {  	v5 =	vperm.xlane @p1 v5, v4;
	v4 =	vperm.xlane @p1 v6, v4;
	_ =	sdelay $0x1  }
0x48: {  	vm0 =	vle.f32 @p1 v3, v5  }
0x49: {  	v5 =	vsel @p1 vm0, v3, v5;
	v4 =	vsel @p1 vm0, v2, v4  }
0x4a: {  	(xrf1) =	vsort.ascd.msk.f32 @p1 $0xffff, v5, v4;
	_ =	sdelay $0xa  }
.Ltmp0:
0x4b: {  	(pc) =	sbr.rel @p0 .LBB2_3-.Ltmp0, $3  }
0x4c: {  	_ =	sdelay $0x1  }
0x4d: {  	v4, v5, _ =	vpop @p1 (xrf1)  }
0x4e: {  	v3 =	vpsel p1, v4, v3;
	v2 =	vpsel p1, v5, v2  }
0x4f: {  	_ =	sdelay $0x2  }
0x50: {  	s16 =	sadd.s32 $0x1, s16  }
0x51: {  	v3 =	vld.idx.msk [tilespmem:v2+s12+$0x0], $0xffff;
	p0 =	sne.s32 s16, $0x40  }
.Ltmp1:
0x52: {  	_ = 	snop;
	(pc) =	sbr.rel @p0 .LBB2_2-.Ltmp1, $3  }
0x53: {  	_ =	sdelay $0x1  }
0x54: {  	[tilespmem:s17+$0x1000] =	vst v2  }
0x55: {  	[tilespmem:s17+$0x1400] =	vst v3  }
0x56: {  	[hbm4b:s6+s2] =	stream.linear.scatter [tilespmem:s13], [sflag:$0x1], $0x400, $0x38;
	[tilespmem:$0x1800] =	vst v63  }
0x57: {  	s15 =	sadd.s32 $0x1, s15;
	_ =	swait.ge [sflag:s11], $0x400  }
0x58: {  	p0 =	sne.s32 s15, s8;
	[sflag:s11] =	ssyncset.done $0x0  }
.Ltmp2:
0x59: {  	[sflag:s11] =	ssyncadd.s32 $0xFFFFFC00;
	(pc) =	sbr.rel @p0 .LBB2_1-.Ltmp2, $4  }
0x5a: {  	[hbm4b:s7+s2] =	stream.linear.scatter [tilespmem:s14], [sflag:$0x1], $0x400, $0x38;
	[tilespmem:$0x1800] =	vst v63  }
0x5b: {  	_ =	swait.ge [sflag:s11], $0x400  }
0x5c: {  	[sflag:s11] =	ssyncset.done $0x0  }
0x5d: {  	[sflag:s11] =	ssyncadd.s32 $0xFFFFFC00  }
0x5e: {  	_ =	sfence.sel $0x180000  }
0x5f: {  	[bflag:$0x0] =	sbarrier.arrive $0xFFFF  }
0x60: {  	p0 =	sne.s32 s1, $0x0;
	_ =	strace $0x90000047  }
0x61: {  	s0 =	sadd.s32 @!p0 $0x100000, s0;
	[bflag:$0x2] =	sbarrier.arrive $0xFFFF  }
0x62: {  	[sflag:s0] =	ssyncadd.tile.s32 @!p0 $0x1;
	_ =	shalt  }
.Lfunc_end2:
_tile_overlayer_lowered:
.L_overlay_start_2:
0x63: {  	(tag) =	ssettag $0x2  }
0x64: {  	s0 =	rddreg [dreg:$0x0];
	s2 =	stileid.u32  }
0x65: {  	s1 =	rddreg [dreg:$0x1];
	p0 =	sne.s32 s2, $0x0  }
0x66: {  	s3 =	rddreg [dreg:$0x2];
	[bflag:$0x3] =	sbarrier.arrive $0xFFFF;
	s2 =	simm.s32 @!p0 $0x1C01  }
0x67: {  	[timem:s3], [sflag:s2] =	dma.local @!p0 [hbm:s0], s1  }
0x68: {  	s0 =	simm.s32 @!p0 $0x1  }
0x69: {  	_ =	swait.ge @!p0 [sflag:s0], s1  }
0x6a: {  	s1 =	ssub.s32 @!p0 $0x0, s1;
	[sflag:s0] =	ssyncset.done @!p0 $0x0  }
0x6b: {  	[sflag:s0] =	ssyncadd.s32 @!p0 s1  }
0x6c: {  	[bflag:$0x3] =	sbarrier.arrive $0xFFFF  }
0x6d: {  	_ =	shalt  }

</sc_bundles>
